<compile_context>
chip_gen: v7x
topology: tpu7x:2x2x1
jax: 0.10.2.dev20260603
libtpu: 0.0.44.dev20260713+nightly
codegen_flags: <defaults>
</compile_context>

<pallas_src>
import jax
import jax.numpy as jnp
from jax import lax
from jax.experimental import pallas as pl
from jax.experimental.pallas import tpu as pltpu
from jax.experimental.pallas import tpu_sc as plsc

N = 10000
E = 320000
ALPHA = 0.1
SWEEPS = 10
NT = 16
EPT = E // NT
VL = 16
NSL = 640
NP = NT * NSL


def _sweep_body(ei_hbm, w_hbm, h_out,
                src_v, dst_v, w_v, h_v, acc_v, red_v, hs_v, sh_acc, sh_h,
                sem):
    wid = lax.axis_index("s")
    ebase = wid * EPT
    nbase = wid * NSL

    cp1 = pltpu.async_copy(ei_hbm.at[pl.ds(ebase, EPT)], src_v, sem)
    cp2 = pltpu.async_copy(ei_hbm.at[pl.ds(E + ebase, EPT)], dst_v, sem)
    cp3 = pltpu.async_copy(w_hbm.at[pl.ds(ebase, EPT)], w_v, sem)

    ones = jnp.ones((VL,), jnp.float32)
    zeros = jnp.zeros((VL,), jnp.float32)

    @pl.loop(0, NP // VL)
    def _init(i):
        off = i * VL
        h_v[pl.ds(off, VL)] = ones
        acc_v[pl.ds(off, VL)] = zeros

    cp1.wait()
    cp2.wait()
    cp3.wait()

    @pl.loop(0, SWEEPS)
    def _sweep(_):
        @plsc.parallel_loop(0, EPT // VL, unroll=16)
        def _edges(e):
            off = e * VL
            s = src_v[pl.ds(off, VL)]
            d = dst_v[pl.ds(off, VL)]
            ww = w_v[pl.ds(off, VL)]
            hv = plsc.load_gather(h_v, [s])
            plsc.addupdate_scatter(acc_v, [d], hv * ww)

        pltpu.sync_copy(acc_v, sh_acc.at[wid])
        plsc.subcore_barrier()

        rd = pltpu.async_copy(sh_acc.at[:, pl.ds(nbase, NSL)], red_v, sem)

        @plsc.parallel_loop(0, NP // VL, unroll=16)
        def _clr(i):
            acc_v[pl.ds(i * VL, VL)] = zeros

        rd.wait()

        @pl.loop(0, NSL // VL)
        def _upd(j):
            off = j * VL
            a = red_v[0, pl.ds(off, VL)]
            for t in range(1, NT):
                a = a + red_v[t, pl.ds(off, VL)]
            hs_v[pl.ds(off, VL)] = a * (1.0 - ALPHA) + ALPHA

        pltpu.sync_copy(hs_v, sh_h.at[pl.ds(nbase, NSL)])
        plsc.subcore_barrier()
        pltpu.sync_copy(sh_h, h_v)

    pltpu.sync_copy(hs_v, h_out.at[pl.ds(nbase, NSL)])


def _make_sweep():
    mesh = plsc.VectorSubcoreMesh(
        core_axis_name="c", subcore_axis_name="s", num_cores=1)
    return pl.kernel(
        _sweep_body,
        out_type=jax.ShapeDtypeStruct((NP,), jnp.float32),
        mesh=mesh,
        scratch_types=[
            pltpu.VMEM((EPT,), jnp.int32),
            pltpu.VMEM((EPT,), jnp.int32),
            pltpu.VMEM((EPT,), jnp.float32),
            pltpu.VMEM((NP,), jnp.float32),
            pltpu.VMEM((NP,), jnp.float32),
            pltpu.VMEM((NT, NSL), jnp.float32),
            pltpu.VMEM((NSL,), jnp.float32),
            pltpu.VMEM_SHARED((NT, NP), jnp.float32),
            pltpu.VMEM_SHARED((NP,), jnp.float32),
            pltpu.SemaphoreType.DMA,
        ],
        compiler_params=pltpu.CompilerParams(needs_layout_passes=False),
    )


def _divide_tc(f_ref, h_ref, o_ref):
    o_ref[...] = f_ref[...] / h_ref[...]


def kernel(features, edge_index, edge_weight):
    h_pad = _make_sweep()(edge_index.reshape(2 * E), edge_weight)
    h = h_pad[:N].reshape(N, 1)

    return pl.pallas_call(
        _divide_tc,
        out_shape=jax.ShapeDtypeStruct((N, features.shape[1]), jnp.float32),
        grid=(10,),
        in_specs=[
            pl.BlockSpec((N // 10, 128), lambda i: (i, 0)),
            pl.BlockSpec((N // 10, 1), lambda i: (i, 0)),
        ],
        out_specs=pl.BlockSpec((N // 10, 128), lambda i: (i, 0)),
    )(features, h)

# --- scband reference (transcript-rebuilt; emitter-appended) ---
"""Pipeline reference for scband-pprsweep-56676388438732 (READ-ONLY COPY).

The authoritative reference and input builder live on the scoring server;
editing this copy changes nothing except your own understanding.
"""

import jax, jax.numpy as jnp
import numpy as np

N_NODES = 10000
N_EDGES = 320000
D_FEAT = 128
RESTART_PROB = 0.1


def setup_inputs(seed: int = 0) -> dict:
    key = jax.random.key(seed)
    k1, k2, k3 = jax.random.split(key, 3)
    features = jax.random.normal(k1, (N_NODES, D_FEAT), dtype=jnp.float32)
    edge_index = jax.random.randint(k2, (2, N_EDGES), 0, N_NODES, dtype=jnp.int32)
    edge_weight = jax.random.uniform(k3, (N_EDGES,), dtype=jnp.float32)
    return {"features": features, "edge_index": edge_index, "edge_weight": edge_weight}


def _spmm(edge_index, edge_weight, H, num_nodes):
    # sparse (COO) adjacency times dense matrix: out[dst] += w * H[src]
    src = edge_index[0]
    dst = edge_index[1]
    msgs = jnp.take(H, src, axis=0) * edge_weight[:, None]
    return jax.ops.segment_sum(msgs, dst, num_segments=num_nodes)


def reference(features, edge_index, edge_weight):
    alpha = RESTART_PROB
    num_nodes = features.shape[0]
    H0 = features * 0 + 1.0
    HN = H0
    for _ in range(10):
        HN = _spmm(edge_index, edge_weight, HN, num_nodes) * (1.0 - alpha) + H0 * alpha
    return features / HN

if __name__ == "__main__":
    import jax
    _d = setup_inputs()
    print(jax.jit(kernel)(*tuple(_d.values())))

</pallas_src>

<mosaic_0001>
#map = affine_map<(d0, d1) -> (0)>
module attributes {stable_mosaic.version = 14 : i64} {
  func.func @_sweep_body(%arg0: i32, %arg1: i32, %arg2: memref<640000xi32, #tpu.memory_space<hbm>>, %arg3: memref<320000xf32, #tpu.memory_space<hbm>>, %arg4: memref<10240xf32, #tpu.memory_space<hbm>>, %arg5: memref<20000xi32, #tpu.memory_space<vmem>>, %arg6: memref<20000xi32, #tpu.memory_space<vmem>>, %arg7: memref<20000xf32, #tpu.memory_space<vmem>>, %arg8: memref<10240xf32, #tpu.memory_space<vmem>>, %arg9: memref<10240xf32, #tpu.memory_space<vmem>>, %arg10: memref<16x640xf32, #tpu.memory_space<vmem>>, %arg11: memref<640xf32, #tpu.memory_space<vmem>>, %arg12: memref<16x10240xf32, #tpu.memory_space<vmem_shared>>, %arg13: memref<10240xf32, #tpu.memory_space<vmem_shared>>, %arg14: memref<!tpu.dma_semaphore, #tpu.memory_space<semaphore_mem>>) attributes {dimension_semantics = [#tpu.dimension_semantics<core_parallel>, #tpu.dimension_semantics<subcore_parallel>], iteration_bounds = array<i64: 1, 16>, scalar_prefetch = 0 : i64, scratch_operands = 10 : i64, tpu.core_type = #tpu.core_type<sc_vector_subcore>, window_params = [{transform_indices = #map}, {transform_indices = #map}, {transform_indices = #map}]} {
    %mul3A = arith.constant 20000 : i32
    %mul3A_0 = arith.muli %arg1, %mul3A : i32
    %mul3A_1 = arith.constant 640 : i32
    %mul3A_2 = arith.muli %arg1, %mul3A_1 : i32
    %dma_start3A = tpu.memref_slice %arg2[%mul3A_0] : memref<640000xi32, #tpu.memory_space<hbm>> -> memref<20000xi32, #tpu.memory_space<hbm>>
    %dma_start3A_3 = tpu.memref_slice %arg2[%mul3A_0] : memref<640000xi32, #tpu.memory_space<hbm>> -> memref<20000xi32, #tpu.memory_space<hbm>>
    tpu.enqueue_dma source(%dma_start3A_3 : memref<20000xi32, #tpu.memory_space<hbm>>) target(%arg5 : memref<20000xi32, #tpu.memory_space<vmem>>) target_semaphore(%arg14 : memref<!tpu.dma_semaphore, #tpu.memory_space<semaphore_mem>>)
    %add3A = arith.constant 320000 : i32
    %add3A_4 = arith.addi %add3A, %mul3A_0 : i32
    %dma_start3A_5 = tpu.memref_slice %arg2[%add3A_4] : memref<640000xi32, #tpu.memory_space<hbm>> -> memref<20000xi32, #tpu.memory_space<hbm>>
    %dma_start3A_6 = tpu.memref_slice %arg2[%add3A_4] : memref<640000xi32, #tpu.memory_space<hbm>> -> memref<20000xi32, #tpu.memory_space<hbm>>
    tpu.enqueue_dma source(%dma_start3A_6 : memref<20000xi32, #tpu.memory_space<hbm>>) target(%arg6 : memref<20000xi32, #tpu.memory_space<vmem>>) target_semaphore(%arg14 : memref<!tpu.dma_semaphore, #tpu.memory_space<semaphore_mem>>)
    %dma_start3A_7 = tpu.memref_slice %arg3[%mul3A_0] : memref<320000xf32, #tpu.memory_space<hbm>> -> memref<20000xf32, #tpu.memory_space<hbm>>
    %dma_start3A_8 = tpu.memref_slice %arg3[%mul3A_0] : memref<320000xf32, #tpu.memory_space<hbm>> -> memref<20000xf32, #tpu.memory_space<hbm>>
    tpu.enqueue_dma source(%dma_start3A_8 : memref<20000xf32, #tpu.memory_space<hbm>>) target(%arg7 : memref<20000xf32, #tpu.memory_space<vmem>>) target_semaphore(%arg14 : memref<!tpu.dma_semaphore, #tpu.memory_space<semaphore_mem>>)
    %broadcast_in_dim3A = arith.constant 1.000000e+00 : f32
    %broadcast_in_dim3A_9 = vector.broadcast %broadcast_in_dim3A : f32 to vector<16xf32>
    %broadcast_in_dim3A_10 = arith.constant 0.000000e+00 : f32
    %broadcast_in_dim3A_11 = vector.broadcast %broadcast_in_dim3A_10 : f32 to vector<16xf32>
    %scan3A = arith.constant 0 : i32
    %scan3A_12 = arith.constant 640 : i32
    %scan3A_13 = arith.addi %scan3A, %scan3A_12 : i32
    %scan3A_14 = arith.constant 1 : i32
    scf.for %scan3A_26 = %scan3A to %scan3A_13 step %scan3A_14  : i32 {
      %mul3A_27 = arith.constant 1 : i32
      %mul3A_28 = arith.muli %scan3A_26, %mul3A_27 : i32
      %add3A_29 = arith.constant 0 : i32
      %add3A_30 = arith.addi %add3A_29, %mul3A_28 : i32
      %mul3A_31 = arith.constant 16 : i32
      %mul3A_32 = arith.muli %add3A_30, %mul3A_31 : i32
      %swap3A = arith.index_cast %mul3A_32 : i32 to index
      %swap3A_33 = tpu.vector_load %arg8[%swap3A] {strides = array<i32>} : memref<10240xf32, #tpu.memory_space<vmem>>, vector<16xf32>,
      tpu.vector_store %arg8[%swap3A], %broadcast_in_dim3A_9 {strides = array<i32>} : memref<10240xf32, #tpu.memory_space<vmem>>, vector<16xf32>,
      %swap3A_34 = arith.index_cast %mul3A_32 : i32 to index
      %swap3A_35 = tpu.vector_load %arg9[%swap3A_34] {strides = array<i32>} : memref<10240xf32, #tpu.memory_space<vmem>>, vector<16xf32>,
      tpu.vector_store %arg9[%swap3A_34], %broadcast_in_dim3A_11 {strides = array<i32>} : memref<10240xf32, #tpu.memory_space<vmem>>, vector<16xf32>,
    }
    %scan3A_15 = arith.constant 640 : i32
    %dma_wait3A = tpu.memref_slice %arg2[%mul3A_0] : memref<640000xi32, #tpu.memory_space<hbm>> -> memref<20000xi32, #tpu.memory_space<hbm>>
    %dma_wait3A_16 = tpu.memref_slice %arg2[%mul3A_0] : memref<640000xi32, #tpu.memory_space<hbm>> -> memref<20000xi32, #tpu.memory_space<hbm>>
    tpu.wait_dma2 semaphore(%arg14 : memref<!tpu.dma_semaphore, #tpu.memory_space<semaphore_mem>>) src(%dma_wait3A_16 : memref<20000xi32, #tpu.memory_space<hbm>>) dst(%arg5 : memref<20000xi32, #tpu.memory_space<vmem>>)
    %dma_wait3A_17 = tpu.memref_slice %arg2[%add3A_4] : memref<640000xi32, #tpu.memory_space<hbm>> -> memref<20000xi32, #tpu.memory_space<hbm>>
    %dma_wait3A_18 = tpu.memref_slice %arg2[%add3A_4] : memref<640000xi32, #tpu.memory_space<hbm>> -> memref<20000xi32, #tpu.memory_space<hbm>>
    tpu.wait_dma2 semaphore(%arg14 : memref<!tpu.dma_semaphore, #tpu.memory_space<semaphore_mem>>) src(%dma_wait3A_18 : memref<20000xi32, #tpu.memory_space<hbm>>) dst(%arg6 : memref<20000xi32, #tpu.memory_space<vmem>>)
    %dma_wait3A_19 = tpu.memref_slice %arg3[%mul3A_0] : memref<320000xf32, #tpu.memory_space<hbm>> -> memref<20000xf32, #tpu.memory_space<hbm>>
    %dma_wait3A_20 = tpu.memref_slice %arg3[%mul3A_0] : memref<320000xf32, #tpu.memory_space<hbm>> -> memref<20000xf32, #tpu.memory_space<hbm>>
    tpu.wait_dma2 semaphore(%arg14 : memref<!tpu.dma_semaphore, #tpu.memory_space<semaphore_mem>>) src(%dma_wait3A_20 : memref<20000xf32, #tpu.memory_space<hbm>>) dst(%arg7 : memref<20000xf32, #tpu.memory_space<vmem>>)
    %scan3A_21 = arith.constant 0 : i32
    %scan3A_22 = arith.constant 10 : i32
    %scan3A_23 = arith.addi %scan3A_21, %scan3A_22 : i32
    %scan3A_24 = arith.constant 1 : i32
    scf.for %scan3A_26 = %scan3A_21 to %scan3A_23 step %scan3A_24  : i32 {
      %mul3A_27 = arith.constant 1 : i32
      %mul3A_28 = arith.muli %scan3A_26, %mul3A_27 : i32
      %add3A_29 = arith.constant 0 : i32
      %add3A_30 = arith.addi %add3A_29, %mul3A_28 : i32
      %parallel_loop3A = arith.constant 0 : i32
      %parallel_loop3A_31 = arith.constant 1250 : i32
      %parallel_loop3A_32 = arith.constant 1 : i32
      scf.for %parallel_loop3A_50 = %parallel_loop3A to %parallel_loop3A_31 step %parallel_loop3A_32  : i32 {
        %parallel_loop3A_51 = arith.constant 16 : i32
        %parallel_loop3A_52 = arith.muli %parallel_loop3A_50, %parallel_loop3A_51 : i32
        %parallel_loop3A_53 = arith.index_cast %parallel_loop3A_52 : i32 to index
        %parallel_loop3A_54 = tpu.vector_load %arg5[%parallel_loop3A_53] {strides = array<i32>} : memref<20000xi32, #tpu.memory_space<vmem>>, vector<16xi32>,
        %parallel_loop3A_55 = arith.index_cast %parallel_loop3A_52 : i32 to index
        %parallel_loop3A_56 = tpu.vector_load %arg6[%parallel_loop3A_55] {strides = array<i32>} : memref<20000xi32, #tpu.memory_space<vmem>>, vector<16xi32>,
        %parallel_loop3A_57 = arith.index_cast %parallel_loop3A_52 : i32 to index
        %parallel_loop3A_58 = tpu.vector_load %arg7[%parallel_loop3A_57] {strides = array<i32>} : memref<20000xf32, #tpu.memory_space<vmem>>, vector<16xf32>,
        %parallel_loop3A_59 = tpu.vector_load_idx %arg8[%parallel_loop3A_54] : memref<10240xf32, #tpu.memory_space<vmem>>[vector<16xi32>], vector<16xf32>,
        %parallel_loop3A_60 = arith.mulf %parallel_loop3A_59, %parallel_loop3A_58 : vector<16xf32>
        tpu.vector_store_idx %arg9[%parallel_loop3A_56], %parallel_loop3A_60 {add = true} : memref<10240xf32, #tpu.memory_space<vmem>>[vector<16xi32>], vector<16xf32>,
      } {sc.loop_unroll_factor = 16 : i64, sc.parallel_access}
      "tpu.region"() ({
        %run_scoped3A = tpu.sem_alloc : memref<!tpu.dma_semaphore, #tpu.memory_space<semaphore_mem>>
        %dma_start3A_50 = arith.constant 0 : i32
        %dma_start3A_51 = tpu.memref_slice %arg12[%arg1, %dma_start3A_50] : memref<16x10240xf32, #tpu.memory_space<vmem_shared>> -> memref<1x10240xf32, #tpu.memory_space<vmem_shared>>
        %dma_start3A_52 = tpu.memref_squeeze %dma_start3A_51 : memref<1x10240xf32, #tpu.memory_space<vmem_shared>> -> memref<10240xf32, #tpu.memory_space<vmem_shared>>
        %dma_start3A_53 = arith.constant 0 : i32
        %dma_start3A_54 = tpu.memref_slice %arg12[%arg1, %dma_start3A_53] : memref<16x10240xf32, #tpu.memory_space<vmem_shared>> -> memref<1x10240xf32, #tpu.memory_space<vmem_shared>>
        %dma_start3A_55 = tpu.memref_squeeze %dma_start3A_54 : memref<1x10240xf32, #tpu.memory_space<vmem_shared>> -> memref<10240xf32, #tpu.memory_space<vmem_shared>>
        tpu.enqueue_dma source(%arg9 : memref<10240xf32, #tpu.memory_space<vmem>>) target(%dma_start3A_55 : memref<10240xf32, #tpu.memory_space<vmem_shared>>) target_semaphore(%run_scoped3A : memref<!tpu.dma_semaphore, #tpu.memory_space<semaphore_mem>>)
        %dma_wait3A_56 = arith.constant 0 : i32
        %dma_wait3A_57 = tpu.memref_slice %arg12[%arg1, %dma_wait3A_56] : memref<16x10240xf32, #tpu.memory_space<vmem_shared>> -> memref<1x10240xf32, #tpu.memory_space<vmem_shared>>
        %dma_wait3A_58 = tpu.memref_squeeze %dma_wait3A_57 : memref<1x10240xf32, #tpu.memory_space<vmem_shared>> -> memref<10240xf32, #tpu.memory_space<vmem_shared>>
        %dma_wait3A_59 = arith.constant 0 : i32
        %dma_wait3A_60 = tpu.memref_slice %arg12[%arg1, %dma_wait3A_59] : memref<16x10240xf32, #tpu.memory_space<vmem_shared>> -> memref<1x10240xf32, #tpu.memory_space<vmem_shared>>
        %dma_wait3A_61 = tpu.memref_squeeze %dma_wait3A_60 : memref<1x10240xf32, #tpu.memory_space<vmem_shared>> -> memref<10240xf32, #tpu.memory_space<vmem_shared>>
        tpu.wait_dma2 semaphore(%run_scoped3A : memref<!tpu.dma_semaphore, #tpu.memory_space<semaphore_mem>>) src(%arg9 : memref<10240xf32, #tpu.memory_space<vmem>>) dst(%dma_wait3A_61 : memref<10240xf32, #tpu.memory_space<vmem_shared>>)
        tpu.yield
      }) : () -> ()
      %barrier3A = arith.constant 0 : index
      tpu.barrier barrier_id(%barrier3A)
      %dma_start3A_33 = arith.constant 0 : i32
      %dma_start3A_34 = tpu.memref_slice %arg12[%dma_start3A_33, %mul3A_2] : memref<16x10240xf32, #tpu.memory_space<vmem_shared>> -> memref<16x640xf32, #tpu.memory_space<vmem_shared>>
      %dma_start3A_35 = arith.constant 0 : i32
      %dma_start3A_36 = tpu.memref_slice %arg12[%dma_start3A_35, %mul3A_2] : memref<16x10240xf32, #tpu.memory_space<vmem_shared>> -> memref<16x640xf32, #tpu.memory_space<vmem_shared>>
      tpu.enqueue_dma source(%dma_start3A_36 : memref<16x640xf32, #tpu.memory_space<vmem_shared>>) target(%arg10 : memref<16x640xf32, #tpu.memory_space<vmem>>) target_semaphore(%arg14 : memref<!tpu.dma_semaphore, #tpu.memory_space<semaphore_mem>>)
      %parallel_loop3A_37 = arith.constant 0 : i32
      %parallel_loop3A_38 = arith.constant 640 : i32
      %parallel_loop3A_39 = arith.constant 1 : i32
      scf.for %parallel_loop3A_50 = %parallel_loop3A_37 to %parallel_loop3A_38 step %parallel_loop3A_39  : i32 {
        %parallel_loop3A_51 = arith.constant 16 : i32
        %parallel_loop3A_52 = arith.muli %parallel_loop3A_50, %parallel_loop3A_51 : i32
        %parallel_loop3A_53 = arith.index_cast %parallel_loop3A_52 : i32 to index
        %parallel_loop3A_54 = tpu.vector_load %arg9[%parallel_loop3A_53] {strides = array<i32>} : memref<10240xf32, #tpu.memory_space<vmem>>, vector<16xf32>,
        tpu.vector_store %arg9[%parallel_loop3A_53], %broadcast_in_dim3A_11 {strides = array<i32>} : memref<10240xf32, #tpu.memory_space<vmem>>, vector<16xf32>,
      } {sc.loop_unroll_factor = 16 : i64, sc.parallel_access}
      %dma_wait3A_40 = arith.constant 0 : i32
      %dma_wait3A_41 = tpu.memref_slice %arg12[%dma_wait3A_40, %mul3A_2] : memref<16x10240xf32, #tpu.memory_space<vmem_shared>> -> memref<16x640xf32, #tpu.memory_space<vmem_shared>>
      %dma_wait3A_42 = arith.constant 0 : i32
      %dma_wait3A_43 = tpu.memref_slice %arg12[%dma_wait3A_42, %mul3A_2] : memref<16x10240xf32, #tpu.memory_space<vmem_shared>> -> memref<16x640xf32, #tpu.memory_space<vmem_shared>>
      tpu.wait_dma2 semaphore(%arg14 : memref<!tpu.dma_semaphore, #tpu.memory_space<semaphore_mem>>) src(%dma_wait3A_43 : memref<16x640xf32, #tpu.memory_space<vmem_shared>>) dst(%arg10 : memref<16x640xf32, #tpu.memory_space<vmem>>)
      %scan3A_44 = arith.constant 0 : i32
      %scan3A_45 = arith.constant 40 : i32
      %scan3A_46 = arith.addi %scan3A_44, %scan3A_45 : i32
      %scan3A_47 = arith.constant 1 : i32
      scf.for %scan3A_50 = %scan3A_44 to %scan3A_46 step %scan3A_47  : i32 {
        %mul3A_51 = arith.constant 1 : i32
        %mul3A_52 = arith.muli %scan3A_50, %mul3A_51 : i32
        %add3A_53 = arith.constant 0 : i32
        %add3A_54 = arith.addi %add3A_53, %mul3A_52 : i32
        %mul3A_55 = arith.constant 16 : i32
        %mul3A_56 = arith.muli %add3A_54, %mul3A_55 : i32
        %get3A = arith.constant 0 : i32
        %get3A_57 = arith.index_cast %get3A : i32 to index
        %get3A_58 = arith.index_cast %mul3A_56 : i32 to index
        %get3A_59 = tpu.vector_load %arg10[%get3A_57, %get3A_58] {strides = array<i32>} : memref<16x640xf32, #tpu.memory_space<vmem>>, vector<16xf32>,
        %get3A_60 = arith.constant 1 : i32
        %get3A_61 = arith.index_cast %get3A_60 : i32 to index
        %get3A_62 = arith.index_cast %mul3A_56 : i32 to index
        %get3A_63 = tpu.vector_load %arg10[%get3A_61, %get3A_62] {strides = array<i32>} : memref<16x640xf32, #tpu.memory_space<vmem>>, vector<16xf32>,
        %add3A_64 = arith.addf %get3A_59, %get3A_63 : vector<16xf32>
        %get3A_65 = arith.constant 2 : i32
        %get3A_66 = arith.index_cast %get3A_65 : i32 to index
        %get3A_67 = arith.index_cast %mul3A_56 : i32 to index
        %get3A_68 = tpu.vector_load %arg10[%get3A_66, %get3A_67] {strides = array<i32>} : memref<16x640xf32, #tpu.memory_space<vmem>>, vector<16xf32>,
        %add3A_69 = arith.addf %add3A_64, %get3A_68 : vector<16xf32>
        %get3A_70 = arith.constant 3 : i32
        %get3A_71 = arith.index_cast %get3A_70 : i32 to index
        %get3A_72 = arith.index_cast %mul3A_56 : i32 to index
        %get3A_73 = tpu.vector_load %arg10[%get3A_71, %get3A_72] {strides = array<i32>} : memref<16x640xf32, #tpu.memory_space<vmem>>, vector<16xf32>,
        %add3A_74 = arith.addf %add3A_69, %get3A_73 : vector<16xf32>
        %get3A_75 = arith.constant 4 : i32
        %get3A_76 = arith.index_cast %get3A_75 : i32 to index
        %get3A_77 = arith.index_cast %mul3A_56 : i32 to index
        %get3A_78 = tpu.vector_load %arg10[%get3A_76, %get3A_77] {strides = array<i32>} : memref<16x640xf32, #tpu.memory_space<vmem>>, vector<16xf32>,
        %add3A_79 = arith.addf %add3A_74, %get3A_78 : vector<16xf32>
        %get3A_80 = arith.constant 5 : i32
        %get3A_81 = arith.index_cast %get3A_80 : i32 to index
        %get3A_82 = arith.index_cast %mul3A_56 : i32 to index
        %get3A_83 = tpu.vector_load %arg10[%get3A_81, %get3A_82] {strides = array<i32>} : memref<16x640xf32, #tpu.memory_space<vmem>>, vector<16xf32>,
        %add3A_84 = arith.addf %add3A_79, %get3A_83 : vector<16xf32>
        %get3A_85 = arith.constant 6 : i32
        %get3A_86 = arith.index_cast %get3A_85 : i32 to index
        %get3A_87 = arith.index_cast %mul3A_56 : i32 to index
        %get3A_88 = tpu.vector_load %arg10[%get3A_86, %get3A_87] {strides = array<i32>} : memref<16x640xf32, #tpu.memory_space<vmem>>, vector<16xf32>,
        %add3A_89 = arith.addf %add3A_84, %get3A_88 : vector<16xf32>
        %get3A_90 = arith.constant 7 : i32
        %get3A_91 = arith.index_cast %get3A_90 : i32 to index
        %get3A_92 = arith.index_cast %mul3A_56 : i32 to index
        %get3A_93 = tpu.vector_load %arg10[%get3A_91, %get3A_92] {strides = array<i32>} : memref<16x640xf32, #tpu.memory_space<vmem>>, vector<16xf32>,
        %add3A_94 = arith.addf %add3A_89, %get3A_93 : vector<16xf32>
        %get3A_95 = arith.constant 8 : i32
        %get3A_96 = arith.index_cast %get3A_95 : i32 to index
        %get3A_97 = arith.index_cast %mul3A_56 : i32 to index
        %get3A_98 = tpu.vector_load %arg10[%get3A_96, %get3A_97] {strides = array<i32>} : memref<16x640xf32, #tpu.memory_space<vmem>>, vector<16xf32>,
        %add3A_99 = arith.addf %add3A_94, %get3A_98 : vector<16xf32>
        %get3A_100 = arith.constant 9 : i32
        %get3A_101 = arith.index_cast %get3A_100 : i32 to index
        %get3A_102 = arith.index_cast %mul3A_56 : i32 to index
        %get3A_103 = tpu.vector_load %arg10[%get3A_101, %get3A_102] {strides = array<i32>} : memref<16x640xf32, #tpu.memory_space<vmem>>, vector<16xf32>,
        %add3A_104 = arith.addf %add3A_99, %get3A_103 : vector<16xf32>
        %get3A_105 = arith.constant 10 : i32
        %get3A_106 = arith.index_cast %get3A_105 : i32 to index
        %get3A_107 = arith.index_cast %mul3A_56 : i32 to index
        %get3A_108 = tpu.vector_load %arg10[%get3A_106, %get3A_107] {strides = array<i32>} : memref<16x640xf32, #tpu.memory_space<vmem>>, vector<16xf32>,
        %add3A_109 = arith.addf %add3A_104, %get3A_108 : vector<16xf32>
        %get3A_110 = arith.constant 11 : i32
        %get3A_111 = arith.index_cast %get3A_110 : i32 to index
        %get3A_112 = arith.index_cast %mul3A_56 : i32 to index
        %get3A_113 = tpu.vector_load %arg10[%get3A_111, %get3A_112] {strides = array<i32>} : memref<16x640xf32, #tpu.memory_space<vmem>>, vector<16xf32>,
        %add3A_114 = arith.addf %add3A_109, %get3A_113 : vector<16xf32>
        %get3A_115 = arith.constant 12 : i32
        %get3A_116 = arith.index_cast %get3A_115 : i32 to index
        %get3A_117 = arith.index_cast %mul3A_56 : i32 to index
        %get3A_118 = tpu.vector_load %arg10[%get3A_116, %get3A_117] {strides = array<i32>} : memref<16x640xf32, #tpu.memory_space<vmem>>, vector<16xf32>,
        %add3A_119 = arith.addf %add3A_114, %get3A_118 : vector<16xf32>
        %get3A_120 = arith.constant 13 : i32
        %get3A_121 = arith.index_cast %get3A_120 : i32 to index
        %get3A_122 = arith.index_cast %mul3A_56 : i32 to index
        %get3A_123 = tpu.vector_load %arg10[%get3A_121, %get3A_122] {strides = array<i32>} : memref<16x640xf32, #tpu.memory_space<vmem>>, vector<16xf32>,
        %add3A_124 = arith.addf %add3A_119, %get3A_123 : vector<16xf32>
        %get3A_125 = arith.constant 14 : i32
        %get3A_126 = arith.index_cast %get3A_125 : i32 to index
        %get3A_127 = arith.index_cast %mul3A_56 : i32 to index
        %get3A_128 = tpu.vector_load %arg10[%get3A_126, %get3A_127] {strides = array<i32>} : memref<16x640xf32, #tpu.memory_space<vmem>>, vector<16xf32>,
        %add3A_129 = arith.addf %add3A_124, %get3A_128 : vector<16xf32>
        %get3A_130 = arith.constant 15 : i32
        %get3A_131 = arith.index_cast %get3A_130 : i32 to index
        %get3A_132 = arith.index_cast %mul3A_56 : i32 to index
        %get3A_133 = tpu.vector_load %arg10[%get3A_131, %get3A_132] {strides = array<i32>} : memref<16x640xf32, #tpu.memory_space<vmem>>, vector<16xf32>,
        %add3A_134 = arith.addf %add3A_129, %get3A_133 : vector<16xf32>
        %mul3A_135 = arith.constant 0.899999976 : f32
        %mul3A_136 = vector.broadcast %mul3A_135 : f32 to vector<16xf32>
        %mul3A_137 = arith.mulf %add3A_134, %mul3A_136 : vector<16xf32>
        %add3A_138 = arith.constant 1.000000e-01 : f32
        %add3A_139 = vector.broadcast %add3A_138 : f32 to vector<16xf32>
        %add3A_140 = arith.addf %mul3A_137, %add3A_139 : vector<16xf32>
        %swap3A = arith.index_cast %mul3A_56 : i32 to index
        %swap3A_141 = tpu.vector_load %arg11[%swap3A] {strides = array<i32>} : memref<640xf32, #tpu.memory_space<vmem>>, vector<16xf32>,
        tpu.vector_store %arg11[%swap3A], %add3A_140 {strides = array<i32>} : memref<640xf32, #tpu.memory_space<vmem>>, vector<16xf32>,
      }
      %scan3A_48 = arith.constant 40 : i32
      "tpu.region"() ({
        %run_scoped3A = tpu.sem_alloc : memref<!tpu.dma_semaphore, #tpu.memory_space<semaphore_mem>>
        %dma_start3A_50 = tpu.memref_slice %arg13[%mul3A_2] : memref<10240xf32, #tpu.memory_space<vmem_shared>> -> memref<640xf32, #tpu.memory_space<vmem_shared>>
        %dma_start3A_51 = tpu.memref_slice %arg13[%mul3A_2] : memref<10240xf32, #tpu.memory_space<vmem_shared>> -> memref<640xf32, #tpu.memory_space<vmem_shared>>
        tpu.enqueue_dma source(%arg11 : memref<640xf32, #tpu.memory_space<vmem>>) target(%dma_start3A_51 : memref<640xf32, #tpu.memory_space<vmem_shared>>) target_semaphore(%run_scoped3A : memref<!tpu.dma_semaphore, #tpu.memory_space<semaphore_mem>>)
        %dma_wait3A_52 = tpu.memref_slice %arg13[%mul3A_2] : memref<10240xf32, #tpu.memory_space<vmem_shared>> -> memref<640xf32, #tpu.memory_space<vmem_shared>>
        %dma_wait3A_53 = tpu.memref_slice %arg13[%mul3A_2] : memref<10240xf32, #tpu.memory_space<vmem_shared>> -> memref<640xf32, #tpu.memory_space<vmem_shared>>
        tpu.wait_dma2 semaphore(%run_scoped3A : memref<!tpu.dma_semaphore, #tpu.memory_space<semaphore_mem>>) src(%arg11 : memref<640xf32, #tpu.memory_space<vmem>>) dst(%dma_wait3A_53 : memref<640xf32, #tpu.memory_space<vmem_shared>>)
        tpu.yield
      }) : () -> ()
      %barrier3A_49 = arith.constant 0 : index
      tpu.barrier barrier_id(%barrier3A_49)
      "tpu.region"() ({
        %run_scoped3A = tpu.sem_alloc : memref<!tpu.dma_semaphore, #tpu.memory_space<semaphore_mem>>
        tpu.enqueue_dma source(%arg13 : memref<10240xf32, #tpu.memory_space<vmem_shared>>) target(%arg8 : memref<10240xf32, #tpu.memory_space<vmem>>) target_semaphore(%run_scoped3A : memref<!tpu.dma_semaphore, #tpu.memory_space<semaphore_mem>>)
        tpu.wait_dma2 semaphore(%run_scoped3A : memref<!tpu.dma_semaphore, #tpu.memory_space<semaphore_mem>>) src(%arg13 : memref<10240xf32, #tpu.memory_space<vmem_shared>>) dst(%arg8 : memref<10240xf32, #tpu.memory_space<vmem>>)
        tpu.yield
      }) : () -> ()
    }
    %scan3A_25 = arith.constant 10 : i32
    "tpu.region"() ({
      %run_scoped3A = tpu.sem_alloc : memref<!tpu.dma_semaphore, #tpu.memory_space<semaphore_mem>>
      %dma_start3A_26 = tpu.memref_slice %arg4[%mul3A_2] : memref<10240xf32, #tpu.memory_space<hbm>> -> memref<640xf32, #tpu.memory_space<hbm>>
      %dma_start3A_27 = tpu.memref_slice %arg4[%mul3A_2] : memref<10240xf32, #tpu.memory_space<hbm>> -> memref<640xf32, #tpu.memory_space<hbm>>
      tpu.enqueue_dma source(%arg11 : memref<640xf32, #tpu.memory_space<vmem>>) target(%dma_start3A_27 : memref<640xf32, #tpu.memory_space<hbm>>) target_semaphore(%run_scoped3A : memref<!tpu.dma_semaphore, #tpu.memory_space<semaphore_mem>>)
      %dma_wait3A_28 = tpu.memref_slice %arg4[%mul3A_2] : memref<10240xf32, #tpu.memory_space<hbm>> -> memref<640xf32, #tpu.memory_space<hbm>>
      %dma_wait3A_29 = tpu.memref_slice %arg4[%mul3A_2] : memref<10240xf32, #tpu.memory_space<hbm>> -> memref<640xf32, #tpu.memory_space<hbm>>
      tpu.wait_dma2 semaphore(%run_scoped3A : memref<!tpu.dma_semaphore, #tpu.memory_space<semaphore_mem>>) src(%arg11 : memref<640xf32, #tpu.memory_space<vmem>>) dst(%dma_wait3A_29 : memref<640xf32, #tpu.memory_space<hbm>>)
      tpu.yield
    }) : () -> ()
    return
  }
}

module attributes {stable_mosaic.version = 14 : i64} {
  func.func @_divide_tc(%arg0: i32, %arg1: memref<1000x128xf32, #tpu.memory_space<vmem>>, %arg2: memref<1000x1xf32, #tpu.memory_space<vmem>>, %arg3: memref<1000x128xf32, #tpu.memory_space<vmem>>) attributes {dimension_semantics = [#tpu.dimension_semantics<arbitrary>], iteration_bounds = array<i64: 10>, scalar_prefetch = 0 : i64, scratch_operands = 0 : i64, tpu.core_type = #tpu.core_type<tc>, window_params = [{transform_indices = @transform_0, window_bounds = array<i64: 1000, 128>}, {transform_indices = @transform_1, window_bounds = array<i64: 1000, 1>}, {transform_indices = @transform_2, window_bounds = array<i64: 1000, 128>}]} {
    %get3A = arith.constant 0 : index
    %get3A_0 = arith.constant 0 : index
    %get3A_1 = vector.load %arg1[%get3A, %get3A_0] : memref<1000x128xf32, #tpu.memory_space<vmem>>, vector<1000x128xf32>
    %get3A_2 = arith.constant 0 : index
    %get3A_3 = arith.constant 0 : index
    %get3A_4 = vector.load %arg2[%get3A_2, %get3A_3] : memref<1000x1xf32, #tpu.memory_space<vmem>>, vector<1000x1xf32>
    %div3A = vector.broadcast %get3A_4 : vector<1000x1xf32> to vector<1000x128xf32>
    %div3A_5 = arith.divf %get3A_1, %div3A : vector<1000x128xf32>
    %swap3A = arith.constant 0 : index
    %swap3A_6 = arith.constant 0 : index
    %swap3A_7 = vector.load %arg3[%swap3A, %swap3A_6] : memref<1000x128xf32, #tpu.memory_space<vmem>>, vector<1000x128xf32>
    tpu.vector_store %arg3[%swap3A, %swap3A_6], %div3A_5 {strides = array<i32>} : memref<1000x128xf32, #tpu.memory_space<vmem>>, vector<1000x128xf32>,
    return
  }
  func.func @transform_0(%arg0: i32) -> (i32, i32) {
    %c0_i32 = arith.constant 0 : i32
    %c0_i32_0 = arith.constant 0 : i32
    return %arg0, %c0_i32 : i32, i32
  }
  func.func @transform_1(%arg0: i32) -> (i32, i32) {
    %c0_i32 = arith.constant 0 : i32
    %c0_i32_0 = arith.constant 0 : i32
    return %arg0, %c0_i32 : i32, i32
  }
  func.func @transform_2(%arg0: i32) -> (i32, i32) {
    %c0_i32 = arith.constant 0 : i32
    %c0_i32_0 = arith.constant 0 : i32
    return %arg0, %c0_i32 : i32, i32
  }
}

</mosaic_0001>

<sc_bundles>
// kernel: kernel.4.cloned.1.call-start
scs
__scs_entry_jumppad:
0x0: {  	(pc) =	sbr.rel $0x88, $3  }
0x1: {  	(tag) =	ssettag $0x0;
	lr =	simm.s32 $0x1  }
0x2: {  	[smem:$0x3F9E] =	sst lr;
	_ =	strace $0xD0000000  }
0x3: {  	_ = 	snop  }
0x4: {  	_ = 	snop  }
0x5: {  	_ = 	snop  }
0x6: {  	_ = 	snop  }
0x7: {  	_ = 	snop  }
__scs_overlays_trampoline_lowered:
0x8: {  	[smem:$0x3FAD] =	sst s0  }
0x9: {  	[smem:$0x3FAE] =	sst s1  }
0xa: {  	[smem:$0x3FAF] =	sst s2  }
0xb: {  	[smem:$0x3FB0] =	sst s3  }
0xc: {  	[smem:$0x3FB1] =	sst s4  }
0xd: {  	[smem:$0x3FB2] =	sst s5  }
0xe: {  	[smem:$0x3FB3] =	sst s6  }
0xf: {  	[smem:$0x3FB4] =	sst s7  }
0x10: {  	[smem:$0x3FB5] =	sst s8  }
0x11: {  	[smem:$0x3FB6] =	sst s9;
	s0 =	simm.s32 @!p0 $0x0  }
0x12: {  	s1 =	sld [smem:$0x3F9C];
	s0 =	simm.s32 @p0 $0x1  }
0x13: {  	[smem:$0x3FB7] =	sst s0;
	s0 =	simm.s32 @!p1 $0x0  }
0x14: {  	s2 =	sld [smem:$0x3F9B];
	s0 =	simm.s32 @p1 $0x1  }
0x15: {  	[smem:$0x3FB8] =	sst s0;
	s0 =	simm.s32 @!p2 $0x0  }
0x16: {  	s3 =	sld [smem:$0x3FDB];
	s0 =	simm.s32 @p2 $0x1  }
0x17: {  	s4 =	simm.s32 $0x1BF5;
	[smem:$0x3FBA] =	sst s0  }
0x18: {  	s0 =	sld [smem:$0x3F9D];
	_ =	swait.ge [sflag:s4], $0x0  }
0x19: {  	s7 =	sld [smem:$0x3F9E]  }
0x1a: {  	s8 =	sadd.s32 $0xFFFFE003, lr  }
0x1b: {  	s9 =	sadd.s32 $0xFFFFFEF7, lr;
	s5 =	simm.s32 $0xFFFFFFFF;
	p2 =	slt.u32 s8, $0xFFFFF086  }
0x1c: {  	p1 =	slt.u32 s9, $0xF7A;
	s5 =	simm.s32 @!p2 $0x0  }
0x1d: {  	s5 =	simm.s32 @p1 $0x1;
	p0 =	seq.s32 s7, s2  }
0x1e: {  	s7 =	smul.u32 @!p0 $0xF7A, s2;
	p2 =	seq.s32 @!p0 s5, $0x0  }
0x1f: {  	s9 =	smul.u32 $0xF7A, s1;
	s8 =	simm.s32 @!p0 $0x1BF5;
	p2 =	por !p2, p0  }
0x20: {  	[sflag:s8] =	ssyncset.s32 @!p0 $0xFFFFF086;
	s6 =	sadd.s32 @!p0 s3, s7;
	s7 =	simm.s32 @!p0 $0x108  }
0x21: {  	s3 =	sadd.s32 s3, s9;
	s6 =	sadd.s32 @!p0 $0x88, s6;
	s7 =	simm.s32 @p2 $0x1082  }
0x22: {  	[simem:s7], [sflag:s8] =	dma.local @!p0 [hbm:s6], $0xF7A  }
0x23: {  	s9 =	sor.u32 $0xD0000000, s2;
	s6 =	simm.s32 $0x108;
	_ =	swait.ge @!p0 [sflag:s8], $0x0  }
0x24: {  	s3 =	sadd.s32 $0x88, s3;
	s6 =	simm.s32 @!p1 $0x1082;
	[sflag:s4] =	ssyncset.s32 $0xFFFFF086  }
0x25: {  	[simem:s6], [sflag:s4] =	dma.local [hbm:s3], $0xF7A  }
0x26: {  	[smem:$0x3F9E] =	sst s1;
	(tag) =	ssettag s2;
	_ =	strace s9  }
0x27: {  	s1 =	sld [smem:$0x3FAE]  }
0x28: {  	s2 =	sld [smem:$0x3FAF]  }
0x29: {  	s4 =	sld [smem:$0x3FB1]  }
0x2a: {  	p0 =	seq.s32 s5, $0x0;
	s5 =	sld [smem:$0x3FB2]  }
0x2b: {  	s6 =	sld [smem:$0x3FB3]  }
0x2c: {  	s7 =	sld [smem:$0x3FB4]  }
0x2d: {  	s3 =	simm.s32 $0x108;
	s8 =	sld [smem:$0x3FB5]  }
0x2e: {  	s3 =	simm.s32 @!p0 $0x1082;
	s9 =	sld [smem:$0x3FB6]  }
0x2f: {  	lr =	sadd.s32 s0, s3;
	s0 =	sld [smem:$0x3FAD]  }
0x30: {  	s3 =	sld [smem:$0x3FB0]  }
0x31: {  	[smem:$0x3FB9] =	sst s10  }
0x32: {  	s10 =	sld [smem:$0x3FB7];
	_ =	sdelay $0x3  }
0x33: {  	p0 =	seq.s32 s10, $0x1;
	s10 =	sld [smem:$0x3FB9];
	_ =	sdelay $0x3  }
0x34: {  	[smem:$0x3FB9] =	sst s10  }
0x35: {  	s10 =	sld [smem:$0x3FB8];
	_ =	sdelay $0x3  }
0x36: {  	p1 =	seq.s32 s10, $0x1;
	s10 =	sld [smem:$0x3FB9];
	_ =	sdelay $0x3  }
0x37: {  	[smem:$0x3FB9] =	sst s10  }
0x38: {  	s10 =	sld [smem:$0x3FBA]  }
0x39: {  	_ = 	snop;
	(pc) =	sbr.ind lr, $3  }
0x3a: {  	_ = 	snop  }
0x3b: {  	_ = 	snop  }
0x3c: {  	p2 =	seq.s32 s10, $0x1;
	s10 =	sld [smem:$0x3FB9]  }
0x3d: {  	_ =	shalt  }
0x3e: {  	_ =	shalt  }
0x3f: {  	_ =	shalt  }
0x40: {  	_ =	shalt  }
0x41: {  	_ =	shalt  }
0x42: {  	_ =	shalt  }
0x43: {  	_ =	shalt  }
0x44: {  	_ =	shalt  }
0x45: {  	_ =	shalt  }
0x46: {  	_ =	shalt  }
0x47: {  	_ =	shalt  }
0x48: {  	_ =	shalt  }
0x49: {  	_ =	shalt  }
0x4a: {  	_ =	shalt  }
0x4b: {  	_ =	shalt  }
0x4c: {  	_ =	shalt  }
0x4d: {  	_ =	shalt  }
0x4e: {  	_ =	shalt  }
0x4f: {  	_ =	shalt  }
0x50: {  	_ =	shalt  }
0x51: {  	_ =	shalt  }
0x52: {  	_ =	shalt  }
0x53: {  	_ =	shalt  }
0x54: {  	_ =	shalt  }
0x55: {  	_ =	shalt  }
0x56: {  	_ =	shalt  }
0x57: {  	_ =	shalt  }
0x58: {  	_ =	shalt  }
0x59: {  	_ =	shalt  }
0x5a: {  	_ =	shalt  }
0x5b: {  	_ =	shalt  }
0x5c: {  	_ =	shalt  }
0x5d: {  	_ =	shalt  }
0x5e: {  	_ =	shalt  }
0x5f: {  	_ =	shalt  }
0x60: {  	_ =	shalt  }
0x61: {  	_ =	shalt  }
0x62: {  	_ =	shalt  }
0x63: {  	_ =	shalt  }
0x64: {  	_ =	shalt  }
0x65: {  	_ =	shalt  }
0x66: {  	_ =	shalt  }
0x67: {  	_ =	shalt  }
0x68: {  	_ =	shalt  }
0x69: {  	_ =	shalt  }
0x6a: {  	_ =	shalt  }
0x6b: {  	_ =	shalt  }
0x6c: {  	_ =	shalt  }
0x6d: {  	_ =	shalt  }
0x6e: {  	_ =	shalt  }
0x6f: {  	_ =	shalt  }
0x70: {  	_ =	shalt  }
0x71: {  	_ =	shalt  }
0x72: {  	_ =	shalt  }
0x73: {  	_ =	shalt  }
0x74: {  	_ =	shalt  }
0x75: {  	_ =	shalt  }
0x76: {  	_ =	shalt  }
0x77: {  	_ =	shalt  }
0x78: {  	_ =	shalt  }
0x79: {  	_ =	shalt  }
0x7a: {  	_ =	shalt  }
0x7b: {  	_ =	shalt  }
0x7c: {  	_ =	shalt  }
0x7d: {  	_ =	shalt  }
0x7e: {  	_ =	shalt  }
0x7f: {  	_ =	shalt  }
0x80: {  	_ =	shalt  }
0x81: {  	_ =	shalt  }
0x82: {  	_ =	shalt  }
0x83: {  	_ =	shalt  }
0x84: {  	_ =	shalt  }
0x85: {  	_ =	shalt  }
0x86: {  	_ =	shalt  }
0x87: {  	_ =	shalt  }
.Lfunc_end0:
.L_simem_size_0:
called_computation_lowered:
.L_overlay_start_0:
0x88: {  	s0 =	sld [smem:$0x3FD9]  }
0x89: {  	s1 =	sld [smem:$0x3FFE];
	_ =	sdelay $0x3  }
0x8a: {  	s0 =	sadd.s32 s1, s0  }
0x8b: {  	[smem:$0x3FC5] =	sst s0  }
0x8c: {  	_ = 	snop  }
0x8d: {  	s0 =	sld [smem:$0x3FC7]  }
0x8e: {  	s16 =	sld [smem:$0x3FD0];
	(tm) =	ssettm $0x1  }
0x8f: {  	s2 =	sld [smem:$0x3FFB];
	_ =	sdelay $0x3  }
0x90: {  	_ =	strace s2  }
0x91: {  	s2 =	sld [smem:$0x3FFC];
	_ =	sdelay $0x3  }
0x92: {  	_ =	strace s2  }
0x93: {  	s2 =	sld [smem:$0x3FFD];
	_ =	sdelay $0x3  }
0x94: {  	_ =	strace s2  }
0x95: {  	_ =	strace $0x8FFFFFFF  }
0x96: {  	s17 =	sld [smem:$0x3FDB];
	_ =	sdelay $0x1  }
0x97: {  	s3 =	simm.s32 $_scs_section_size  }
0x98: {  	s4 =	simm.s32 $_size__tile_overlayer_lowered;
	s5 =	simm.s32 $_tile_overlayer_lowered  }
0x99: {  	s20 =	simm.s32 $0x1BFF;
	s19 =	sshll.u32 s5, $0x1;
	s2 =	sadd.s32 s3, s17  }
0x9a: {  	s6 =	simm.s32 $0x0;
	s18 =	sshll.u32 s4, $0x1;
	s4 =	sadd.s32 s19, s2  }
0x9b: {  	[timem:s6], [sflag:s20] =	dma.local [hbm:s4], s18  }
0x9c: {  	_ =	swait.ge [sflag:s20], s18  }
0x9d: {  	s3 =	ssub.s32 $0x0, s18;
	[sflag:s20] =	ssyncset.done $0x0  }
0x9e: {  	[sflag:s20] =	ssyncadd.s32 s3;
	_ =	sdelay $0x1  }
0x9f: {  	s21 =	simm.s32 $0x1B8B  }
0xa0: {  	_ =	swait.ge [sflag:s21], $0x1  }
0xa1: {  	[sflag:s21] =	ssyncset.done $0x0  }
0xa2: {  	s23 =	simm.s32 $0x1B8E;
	s22 =	sld [smem:$0x3FFE];
	[sflag:s21] =	ssyncadd.s32 $0xFFFFFFFF  }
0xa3: {  	s24 =	simm.s32 $execute0_lowered;
	[smem:$0x3FD2] =	sst s23  }
0xa4: {  	s4 =	sshll.u32 s24, $0x1;
	_ =	strace $0x80000046;
	[dreg:$0x1] =	wrdreg $0xFFFFFFFF  }
0xa5: {  	s25 =	simm.s32 $_size_execute0_lowered;
	s2 =	sadd.s32 s2, s4;
	[dreg:$0x0] =	wrdreg $0x0  }
0xa6: {  	s4 =	sshll.u32 s25, $0x1;
	[dreg:$0x2] =	wrdreg s2  }
0xa7: {  	[dreg:$0x3] =	wrdreg s4  }
0xa8: {  	[dreg:$0x4] =	wrdreg $0xC0  }
0xa9: {  	_ =	task [dreg:s6], $0x5FFFF  }
0xaa: {  	[dreg:$0x1] =	wrdreg $0xFFFFFFFF  }
0xab: {  	[dreg:$0x0] =	wrdreg $0x60  }
0xac: {  	[dreg:$0x2] =	wrdreg s16  }
0xad: {  	[dreg:$0x3] =	wrdreg s0  }
0xae: {  	[dreg:$0x4] =	wrdreg s22  }
0xaf: {  	[dreg:$0x5] =	wrdreg $0x166000  }
0xb0: {  	[dreg:$0x6] =	wrdreg $0x18E000  }
0xb1: {  	[dreg:$0x7] =	wrdreg $0x9  }
0xb2: {  	_ =	task.clear_ibuf [dreg:s6], $0x8FFFF;
	_ =	strace $0x90000046  }
0xb3: {  	s26 =	simm.s32 $0x9;
	_ =	strace $0x80000048  }
0xb4: {  	_ =	swait.ge [sflag:s26], $0x1  }
0xb5: {  	[sflag:s26] =	ssyncadd.s32 $0xFFFFFFFF  }
0xb6: {  	_ =	strace $0x90000048  }
0xb7: {  	_ =	sfence  }
0xb8: {  	s28 =	sld [smem:$0x0];
	_ =	sdelay $0x1  }
0xb9: {  	s29 =	srdreg.scid  }
0xba: {  	s30 =	sshll.u32 s29, $0xD;
	s31 =	sshrl.u32 s29, $0x2  }
0xbb: {  	s1 =	sand.u32 $0x1, s29;
	s2 =	sand.u32 $0x4000, s30;
	s0 =	sadd.s32 s31, s28  }
0xbc: {  	s1 =	sor.u32 s2, s1;
	s0 =	sshll.u32 s0, $0x11  }
0xbd: {  	s0 =	sor.u32 s0, s1  }
0xbe: {  	s0 =	sadd.s32 $0x8F2B, s0  }
0xbf: {  	[sflag:s0] =	ssyncadd.remote.s32 $0x1  }
0xc0: {  	_ =	sfence.sel $0xFFFF  }
0xc1: {  	[dreg:$0x0] =	wrdreg $0xFFFFFFFF;
	(pc) =	sbr.abs _section_cstart, $3  }
0xc2: {  	[dreg:$0x1] =	wrdreg $0xFFFFFFFF  }
0xc3: {  	_ =	task.clear_ibuf [dreg:s6], $0x2FFFF;
	_ =	strace $0x9FFFFFFF  }
0xc4: {  	(tm) =	ssettm $0x7FFFFFFF  }
0xc5: {  	_ =	shalt  }
tec
execute0_lowered:
.L_overlay_start_1:
0x0: {  	(tag) =	ssettag $0x1  }
0x1: {  	s3 =	rddreg [dreg:$0x0]  }
0x2: {  	s4 =	rddreg [dreg:$0x1]  }
0x3: {  	s5 =	rddreg [dreg:$0x2]  }
0x4: {  	s7 =	rddreg [dreg:$0x3];
	s0 =	stileid.u32  }
0x5: {  	s2 =	rddreg [dreg:$0x4];
	s6 =	smul.u32 $0x4E20, s0  }
0x6: {  	s1 =	rddreg [dreg:$0x5];
	s8 =	simm.s32 $0x0  }
0x7: {  	[smem:$0x7FF] =	sst s8;
	s6 =	sshrl.u32 s6, $0x3  }
0x8: {  	s9 =	simm.s32 $0x4E80;
	_ =	strace $0x80000047;
	s3 =	sadd.s32 s3, s6  }
0x9: {  	[tilespmem:s8], [sflag:$0x1] =	stream.linear.gather [hbm4b:s3+s8], $0x4E20, $0x38;
	[tilespmem:$0x19080] =	vst v63  }
0xa: {  	s31 =	simm.s32 $0x9D00;
	s30 =	sadd.s32 s4, s6;
	s3 =	sadd.s32 $0x9C40, s3  }
0xb: {  	[tilespmem:s9], [sflag:$0x1] =	stream.linear.gather [hbm4b:s3+s8], $0x4E20, $0x38;
	[tilespmem:$0x19080] =	vst v63  }
0xc: {  	s4 =	simm.s32 $0x40;
	s3 =	sadd.s32 $0xC00, s5;
	s5 =	simm.s32 $0x0  }
0xd: {  	v0 =	vimm.f32 $1.000000000e+00;
	v1 =	vimm.f32 $0.0e+00;
	[tilespmem:s31], [sflag:$0x1] =	stream.linear.gather [hbm4b:s30+s8], $0x4E20, $0x38;
	[tilespmem:$0x19080] =	vst v63  }
.LBB2_1:
0xe: {  	p0 =	sne.s32 s4, $0x9FC0;
	[tilespmem:s5+$0xEB80] =	vst v0;
	s6 =	smov.u32 s4;
	s4 =	sadd.s32 $0x40, s4  }
.Ltmp0:
0xf: {  	[tilespmem:s5+$0x11380] =	vst v1;
	(pc) =	sbr.rel @p0 .LBB2_1-.Ltmp0, $2  }
0x10: {  	_ =	sdelay $0x2  }
0x11: {  	s5 =	sshra.s32 s6, $0x2  }
0x12: {  	[tilespmem:s5+$0xEB80] =	vst v0  }
0x13: {  	[tilespmem:s5+$0x11380] =	vst v1;
	s4 =	simm.s32 $0x1;
	s5 =	smul.u32 $0x280, s0  }
0x14: {  	s6 =	sshrl.u32 s0, $0x3;
	s8 =	sshll.u32 s0, $0x7;
	s9 =	smul.u32 $0x5000, s0  }
0x15: {  	s10 =	simm.s32 $0xEB80;
	s11 =	simm.s32 $0x11380;
	_ =	swait.ge [sflag:s4], $0x4E20  }
0x16: {  	s12 =	simm.s32 $0x80;
	s13 =	simm.s32 $0x400;
	[sflag:s4] =	ssyncset.done $0x0  }
0x17: {  	s14 =	simm.s32 $0x2;
	s15 =	simm.s32 $0x1400;
	[sflag:s4] =	ssyncadd.s32 $0xFFFFB1E0  }
0x18: {  	s16 =	simm.s32 $0x14000;
	s6 =	smul.u32 $0x50000, s6;
	_ =	swait.ge [sflag:s4], $0x4E20  }
0x19: {  	s17 =	simm.s32 $0x13B80;
	s18 =	simm.s32 $0x16380;
	[sflag:s4] =	ssyncset.done $0x0  }
0x1a: {  	s8 =	sand.u32 $0x380, s8;
	s6 =	sshrl.u32 s6, $0x2;
	[sflag:s4] =	ssyncadd.s32 $0xFFFFB1E0  }
0x1b: {  	s9 =	sshrl.u32 s9, $0x2;
	s6 =	sadd.s32 s6, s7;
	_ =	swait.ge [sflag:s4], $0x4E20  }
0x1c: {  	s7 =	sadd.s32 s9, s7;
	s9 =	simm.s32 $0x0;
	[sflag:s4] =	ssyncset.done $0x0  }
0x1d: {  	v0 =	vimm.f32 $0.0e+00;
	s6 =	sadd.s32 s8, s6;
	s8 =	sadd.s32 s5, s2;
	[sflag:s4] =	ssyncadd.s32 $0xFFFFB1E0  }
.LBB2_3:
0x1e: {  	v1 =	vld [tilespmem:s12+$0x70]  }
0x1f: {  	v2 =	vld [tilespmem:s12+$0xFFFFFF90]  }
0x20: {  	v3 =	vld [tilespmem:s12+$0xFFFFFFA0]  }
0x21: {  	v4 =	vld [tilespmem:s12+$0xFFFFFFB0]  }
0x22: {  	v5 =	vld [tilespmem:s12+$0xFFFFFFC0]  }
0x23: {  	v6 =	vld [tilespmem:s12+$0xFFFFFFD0]  }
0x24: {  	v7 =	vld [tilespmem:s12+$0xFFFFFFE0]  }
0x25: {  	v10 =	vld [tilespmem:s12+$0xFFFFFFF0]  }
0x26: {  	v11 =	vld [tilespmem:s12+$0x0]  }
0x27: {  	v12 =	vld [tilespmem:s12+$0x10]  }
0x28: {  	v13 =	vld [tilespmem:s12+$0x20]  }
0x29: {  	v14 =	vld [tilespmem:s12+$0x30]  }
0x2a: {  	v47 =	vld [tilespmem:s12+$0x40]  }
0x2b: {  	v48 =	vld [tilespmem:s12+$0x60]  }
0x2c: {  	s19 =	simm.s32 $0x4F00;
	v15 =	vld [tilespmem:s12+$0xFFFFFF80]  }
0x2d: {  	s20 =	simm.s32 $0x9D80;
	v8 =	vld [tilespmem:s19+$0x70]  }
0x2e: {  	v9 =	vld [tilespmem:s20+$0x70]  }
0x2f: {  	v16 =	vld [tilespmem:s20+$0xFFFFFF80]  }
0x30: {  	v17 =	vld [tilespmem:s20+$0xFFFFFF90]  }
0x31: {  	v18 =	vld [tilespmem:s20+$0xFFFFFFA0]  }
0x32: {  	v19 =	vld [tilespmem:s20+$0xFFFFFFB0]  }
0x33: {  	v20 =	vld [tilespmem:s20+$0xFFFFFFC0]  }
0x34: {  	v21 =	vld [tilespmem:s20+$0xFFFFFFD0]  }
0x35: {  	v22 =	vld [tilespmem:s20+$0xFFFFFFE0]  }
0x36: {  	v23 =	vld [tilespmem:s20+$0xFFFFFFF0]  }
0x37: {  	v24 =	vld [tilespmem:s20+$0x0]  }
0x38: {  	v25 =	vld [tilespmem:s19+$0xFFFFFF80]  }
0x39: {  	v26 =	vld [tilespmem:s20+$0x10]  }
0x3a: {  	v27 =	vld [tilespmem:s20+$0x20]  }
0x3b: {  	v28 =	vld [tilespmem:s20+$0x30]  }
0x3c: {  	v29 =	vld [tilespmem:s19+$0xFFFFFF90]  }
0x3d: {  	v30 =	vld [tilespmem:s20+$0x40]  }
0x3e: {  	v49 =	vld [tilespmem:s20+$0x50]  }
0x3f: {  	v31 =	vld [tilespmem:s19+$0xFFFFFFA0]  }
0x40: {  	v50 =	vld [tilespmem:s20+$0x60]  }
0x41: {  	v51 =	vld [tilespmem:s19+$0xFFFFFFB0]  }
0x42: {  	v52 =	vld [tilespmem:s19+$0xFFFFFFC0]  }
0x43: {  	v53 =	vld [tilespmem:s19+$0xFFFFFFE0]  }
0x44: {  	v54 =	vld [tilespmem:s19+$0xFFFFFFF0]  }
0x45: {  	v55 =	vld [tilespmem:s19+$0x10]  }
0x46: {  	v56 =	vld [tilespmem:s19+$0x20]  }
0x47: {  	v57 =	vld [tilespmem:s19+$0x30]  }
0x48: {  	v58 =	vld [tilespmem:s19+$0x40]  }
0x49: {  	v59 =	vld [tilespmem:s19+$0x50]  }
0x4a: {  	v60 =	vld [tilespmem:s19+$0x60]  }
0x4b: {  	v1 =	vld.idx.msk [tilespmem:v1+s10+$0x0], $0xffff  }
0x4c: {  	v2 =	vld.idx.msk [tilespmem:v2+s10+$0x0], $0xffff  }
0x4d: {  	v3 =	vld.idx.msk [tilespmem:v3+s10+$0x0], $0xffff  }
0x4e: {  	v4 =	vld.idx.msk [tilespmem:v4+s10+$0x0], $0xffff  }
0x4f: {  	v5 =	vld.idx.msk [tilespmem:v5+s10+$0x0], $0xffff  }
0x50: {  	v6 =	vld.idx.msk [tilespmem:v6+s10+$0x0], $0xffff  }
0x51: {  	v7 =	vld.idx.msk [tilespmem:v7+s10+$0x0], $0xffff  }
0x52: {  	v10 =	vld.idx.msk [tilespmem:v10+s10+$0x0], $0xffff  }
0x53: {  	v15 =	vld.idx.msk [tilespmem:v15+s10+$0x0], $0xffff  }
0x54: {  	v11 =	vld.idx.msk [tilespmem:v11+s10+$0x0], $0xffff  }
0x55: {  	v12 =	vld.idx.msk [tilespmem:v12+s10+$0x0], $0xffff  }
0x56: {  	v13 =	vld.idx.msk [tilespmem:v13+s10+$0x0], $0xffff  }
0x57: {  	v14 =	vld.idx.msk [tilespmem:v14+s10+$0x0], $0xffff;
	v1 =	vmul.f32 v1, v9  }
0x58: {  	v9 =	vld.idx.msk [tilespmem:v47+s10+$0x0], $0xffff  }
0x59: {  	[tilespmem:v8+s11+$0x0] =	vst.idx.add.f32.msk $0xffff, v1  }
0x5a: {  	v15 =	vmul.f32 v15, v16;
	v1 =	vld [tilespmem:s12+$0x50]  }
0x5b: {  	v2 =	vmul.f32 v2, v17;
	v8 =	vld.idx.msk [tilespmem:v48+s10+$0x0], $0xffff  }
0x5c: {  	[tilespmem:v25+s11+$0x0] =	vst.idx.add.f32.msk $0xffff, v15  }
0x5d: {  	v3 =	vmul.f32 v3, v18;
	[tilespmem:v29+s11+$0x0] =	vst.idx.add.f32.msk $0xffff, v2  }
0x5e: {  	v2 =	vld [tilespmem:s19+$0xFFFFFFD0]  }
0x5f: {  	v4 =	vmul.f32 v4, v19;
	[tilespmem:v31+s11+$0x0] =	vst.idx.add.f32.msk $0xffff, v3  }
0x60: {  	v5 =	vmul.f32 v5, v20;
	v3 =	vld [tilespmem:s19+$0x0]  }
0x61: {  	v7 =	vmul.f32 v7, v22;
	[tilespmem:v51+s11+$0x0] =	vst.idx.add.f32.msk $0xffff, v4  }
0x62: {  	v61 =	vmul.f32 v10, v23;
	[tilespmem:v52+s11+$0x0] =	vst.idx.add.f32.msk $0xffff, v5  }
0x63: {  	[tilespmem:v53+s11+$0x0] =	vst.idx.add.f32.msk $0xffff, v7  }
0x64: {  	v6 =	vmul.f32 v6, v21;
	[tilespmem:v54+s11+$0x0] =	vst.idx.add.f32.msk $0xffff, v61  }
0x65: {  	v62 =	vmul.f32 v12, v26;
	v1 =	vld.idx.msk [tilespmem:v1+s10+$0x0], $0xffff  }
0x66: {  	[tilespmem:v2+s11+$0x0] =	vst.idx.add.f32.msk $0xffff, v6;
	v2 =	vmul.f32 v11, v24  }
0x67: {  	v63 =	vmul.f32 v13, v27;
	[tilespmem:v55+s11+$0x0] =	vst.idx.add.f32.msk $0xffff, v62  }
0x68: {  	[tilespmem:v3+s11+$0x0] =	vst.idx.add.f32.msk $0xffff, v2;
	v2 =	vmul.f32 v14, v28  }
0x69: {  	[tilespmem:v56+s11+$0x0] =	vst.idx.add.f32.msk $0xffff, v63;
	v3 =	vmul.f32 v9, v30  }
0x6a: {  	[tilespmem:v57+s11+$0x0] =	vst.idx.add.f32.msk $0xffff, v2;
	v2 =	vmul.f32 v8, v50  }
0x6b: {  	[tilespmem:v58+s11+$0x0] =	vst.idx.add.f32.msk $0xffff, v3;
	v1 =	vmul.f32 v1, v49  }
0x6c: {  	[tilespmem:v60+s11+$0x0] =	vst.idx.add.f32.msk $0xffff, v2  }
0x6d: {  	s21 =	simm.s32 $0x0;
	s22 =	simm.s32 $0x180;
	[tilespmem:v59+s11+$0x0] =	vst.idx.add.f32.msk $0xffff, v1  }
.LBB2_4:
0x6e: {  	v1 =	vld [tilespmem:s22+$0x70];
	s21 =	sadd.s32 $0x10, s21  }
0x6f: {  	v2 =	vld [tilespmem:s22+$0xFFFFFF90];
	p0 =	slt.u32 s21, $0x4D0  }
0x70: {  	v3 =	vld [tilespmem:s22+$0xFFFFFFA0]  }
0x71: {  	v4 =	vld [tilespmem:s22+$0xFFFFFFB0]  }
0x72: {  	v5 =	vld [tilespmem:s22+$0xFFFFFFC0]  }
0x73: {  	v6 =	vld [tilespmem:s22+$0xFFFFFFD0]  }
0x74: {  	s19 =	sadd.s32 $0x100, s19;
	v7 =	vld [tilespmem:s22+$0xFFFFFFE0]  }
0x75: {  	v8 =	vld [tilespmem:s19+$0x70]  }
0x76: {  	s20 =	sadd.s32 $0x100, s20;
	v1 =	vld.idx.msk [tilespmem:v1+s10+$0x0], $0xffff  }
0x77: {  	v9 =	vld [tilespmem:s20+$0x70]  }
0x78: {  	v10 =	vld [tilespmem:s22+$0xFFFFFFF0]  }
0x79: {  	v11 =	vld [tilespmem:s22+$0x0]  }
0x7a: {  	v12 =	vld [tilespmem:s22+$0x10]  }
0x7b: {  	v13 =	vld [tilespmem:s22+$0x20]  }
0x7c: {  	v14 =	vld [tilespmem:s22+$0x30];
	v1 =	vmul.f32 v1, v9  }
0x7d: {  	v9 =	vld [tilespmem:s22+$0x40]  }
0x7e: {  	s23 =	simm.s32 $0x0;
	[tilespmem:v8+s11+$0x0] =	vst.idx.add.f32.msk $0xffff, v1  }
0x7f: {  	v1 =	vld [tilespmem:s22+$0x50]  }
0x80: {  	v8 =	vld [tilespmem:s22+$0x60]  }
0x81: {  	v15 =	vld [tilespmem:s22+$0xFFFFFF80]  }
0x82: {  	v2 =	vld.idx.msk [tilespmem:v2+s10+$0x0], $0xffff  }
0x83: {  	v3 =	vld.idx.msk [tilespmem:v3+s10+$0x0], $0xffff  }
0x84: {  	v4 =	vld.idx.msk [tilespmem:v4+s10+$0x0], $0xffff  }
0x85: {  	v5 =	vld.idx.msk [tilespmem:v5+s10+$0x0], $0xffff  }
0x86: {  	v6 =	vld.idx.msk [tilespmem:v6+s10+$0x0], $0xffff  }
0x87: {  	v7 =	vld.idx.msk [tilespmem:v7+s10+$0x0], $0xffff  }
0x88: {  	v10 =	vld.idx.msk [tilespmem:v10+s10+$0x0], $0xffff  }
0x89: {  	v15 =	vld.idx.msk [tilespmem:v15+s10+$0x0], $0xffff  }
0x8a: {  	v11 =	vld.idx.msk [tilespmem:v11+s10+$0x0], $0xffff  }
0x8b: {  	v12 =	vld.idx.msk [tilespmem:v12+s10+$0x0], $0xffff  }
0x8c: {  	v13 =	vld.idx.msk [tilespmem:v13+s10+$0x0], $0xffff  }
0x8d: {  	v14 =	vld.idx.msk [tilespmem:v14+s10+$0x0], $0xffff  }
0x8e: {  	v9 =	vld.idx.msk [tilespmem:v9+s10+$0x0], $0xffff  }
0x8f: {  	v1 =	vld.idx.msk [tilespmem:v1+s10+$0x0], $0xffff  }
0x90: {  	v8 =	vld.idx.msk [tilespmem:v8+s10+$0x0], $0xffff  }
0x91: {  	v16 =	vld [tilespmem:s20+$0xFFFFFF80]  }
0x92: {  	v17 =	vld [tilespmem:s20+$0xFFFFFF90]  }
0x93: {  	v18 =	vld [tilespmem:s20+$0xFFFFFFA0]  }
0x94: {  	v19 =	vld [tilespmem:s20+$0xFFFFFFB0]  }
0x95: {  	v20 =	vld [tilespmem:s20+$0xFFFFFFC0]  }
0x96: {  	v15 =	vmul.f32 v15, v16;
	v16 =	vld [tilespmem:s20+$0xFFFFFFD0]  }
0x97: {  	v2 =	vmul.f32 v2, v17;
	v17 =	vld [tilespmem:s20+$0xFFFFFFE0]  }
0x98: {  	v3 =	vmul.f32 v3, v18;
	v18 =	vld [tilespmem:s20+$0xFFFFFFF0]  }
0x99: {  	v4 =	vmul.f32 v4, v19;
	v19 =	vld [tilespmem:s20+$0x0]  }
0x9a: {  	v5 =	vmul.f32 v5, v20;
	v20 =	vld [tilespmem:s20+$0x10]  }
0x9b: {  	v6 =	vmul.f32 v6, v16;
	v16 =	vld [tilespmem:s20+$0x20]  }
0x9c: {  	v7 =	vmul.f32 v7, v17;
	v17 =	vld [tilespmem:s20+$0x30]  }
0x9d: {  	v10 =	vmul.f32 v10, v18;
	v18 =	vld [tilespmem:s20+$0x40]  }
0x9e: {  	v11 =	vmul.f32 v11, v19;
	v19 =	vld [tilespmem:s20+$0x50]  }
0x9f: {  	v12 =	vmul.f32 v12, v20;
	v20 =	vld [tilespmem:s20+$0x60]  }
0xa0: {  	v21 =	vld [tilespmem:s19+$0xFFFFFF80];
	v13 =	vmul.f32 v13, v16  }
0xa1: {  	v16 =	vld [tilespmem:s19+$0xFFFFFF90];
	v14 =	vmul.f32 v14, v17  }
0xa2: {  	v17 =	vld [tilespmem:s19+$0xFFFFFFA0];
	v9 =	vmul.f32 v9, v18  }
0xa3: {  	v18 =	vld [tilespmem:s19+$0xFFFFFFB0];
	v1 =	vmul.f32 v1, v19  }
0xa4: {  	v19 =	vld [tilespmem:s19+$0xFFFFFFC0];
	v8 =	vmul.f32 v8, v20  }
0xa5: {  	v20 =	vld [tilespmem:s19+$0xFFFFFFD0]  }
0xa6: {  	v22 =	vld [tilespmem:s19+$0xFFFFFFE0]  }
0xa7: {  	v23 =	vld [tilespmem:s19+$0xFFFFFFF0]  }
0xa8: {  	v24 =	vld [tilespmem:s19+$0x0]  }
0xa9: {  	v25 =	vld [tilespmem:s19+$0x10]  }
0xaa: {  	v26 =	vld [tilespmem:s19+$0x20]  }
0xab: {  	v27 =	vld [tilespmem:s19+$0x30]  }
0xac: {  	v28 =	vld [tilespmem:s19+$0x40]  }
0xad: {  	v29 =	vld [tilespmem:s19+$0x50]  }
0xae: {  	v30 =	vld [tilespmem:s19+$0x60]  }
0xaf: {  	[tilespmem:v21+s11+$0x0] =	vst.idx.add.f32.msk $0xffff, v15  }
0xb0: {  	[tilespmem:v16+s11+$0x0] =	vst.idx.add.f32.msk $0xffff, v2  }
0xb1: {  	[tilespmem:v17+s11+$0x0] =	vst.idx.add.f32.msk $0xffff, v3  }
0xb2: {  	[tilespmem:v18+s11+$0x0] =	vst.idx.add.f32.msk $0xffff, v4  }
0xb3: {  	[tilespmem:v19+s11+$0x0] =	vst.idx.add.f32.msk $0xffff, v5  }
0xb4: {  	[tilespmem:v20+s11+$0x0] =	vst.idx.add.f32.msk $0xffff, v6  }
0xb5: {  	[tilespmem:v22+s11+$0x0] =	vst.idx.add.f32.msk $0xffff, v7  }
0xb6: {  	[tilespmem:v23+s11+$0x0] =	vst.idx.add.f32.msk $0xffff, v10  }
0xb7: {  	[tilespmem:v24+s11+$0x0] =	vst.idx.add.f32.msk $0xffff, v11  }
0xb8: {  	[tilespmem:v25+s11+$0x0] =	vst.idx.add.f32.msk $0xffff, v12  }
.Ltmp1:
0xb9: {  	[tilespmem:v26+s11+$0x0] =	vst.idx.add.f32.msk $0xffff, v13;
	(pc) =	sbr.rel @p0 .LBB2_4-.Ltmp1, $4  }
0xba: {  	[tilespmem:v27+s11+$0x0] =	vst.idx.add.f32.msk $0xffff, v14  }
0xbb: {  	[tilespmem:v28+s11+$0x0] =	vst.idx.add.f32.msk $0xffff, v9  }
0xbc: {  	[tilespmem:v29+s11+$0x0] =	vst.idx.add.f32.msk $0xffff, v1  }
0xbd: {  	s22 =	sadd.s32 $0x100, s22;
	[tilespmem:v30+s11+$0x0] =	vst.idx.add.f32.msk $0xffff, v8  }
.LBB2_5:
0xbe: {  	s19 =	sshra.s32 s23, $0x2  }
0xbf: {  	v1 =	vld [tilespmem:s19+$0x4E00];
	_ =	sdelay $0x5  }
0xc0: {  	v2 =	vld [tilespmem:s19+$0x9C80]  }
0xc1: {  	v3 =	vld [tilespmem:s19+$0xEB00]  }
0xc2: {  	v1 =	vld.idx.msk [tilespmem:v1+s10+$0x0], $0xffff;
	_ =	sdelay $0x1  }
0xc3: {  	p0 =	sne.s32 s23, $0x40  }
.Ltmp2:
0xc4: {  	_ = 	snop;
	(pc) =	sbr.rel @p0 .LBB2_5-.Ltmp2, $3  }
0xc5: {  	_ = 	snop  }
0xc6: {  	v1 =	vmul.f32 v1, v3;
	_ =	sdelay $0x1  }
0xc7: {  	s23 =	sadd.s32 $0x40, s23;
	[tilespmem:v2+s11+$0x0] =	vst.idx.add.f32.msk $0xffff, v1  }
0xc8: {  	[spmem:s6] =	stream.strided.scatter [tilespmem:s11], [sflag:$0x2], $0x2800, s13, s12, $0x38;
	[tilespmem:$0x19080] =	vst v63  }
0xc9: {  	_ =	swait.ge [sflag:s14], $0x2800  }
0xca: {  	[sflag:s14] =	ssyncset.done $0x0  }
0xcb: {  	[sflag:s14] =	ssyncadd.s32 $0xFFFFD800  }
0xcc: {  	s19 =	simm.s32 $0x11400;
	[bflag:$0x0] =	sbarrier.arrive $0xFFFF  }
0xcd: {  	[tilespmem:s17], [sflag:$0x1] =	stream.strided.gather [spmem:s7], $0x2800, s16, s15, $0x38;
	[tilespmem:$0x19080] =	vst v63  }
0xce: {  	[tilespmem:s19+$0xFFFFFF80] =	vst v0  }
0xcf: {  	[tilespmem:s19+$0x70] =	vst v0  }
0xd0: {  	[tilespmem:s19+$0x60] =	vst v0  }
0xd1: {  	[tilespmem:s19+$0x50] =	vst v0  }
0xd2: {  	[tilespmem:s19+$0x40] =	vst v0  }
0xd3: {  	[tilespmem:s19+$0x30] =	vst v0  }
0xd4: {  	[tilespmem:s19+$0x20] =	vst v0  }
0xd5: {  	[tilespmem:s19+$0x10] =	vst v0  }
0xd6: {  	[tilespmem:s19+$0x0] =	vst v0  }
0xd7: {  	[tilespmem:s19+$0xFFFFFFF0] =	vst v0  }
0xd8: {  	[tilespmem:s19+$0xFFFFFFE0] =	vst v0  }
0xd9: {  	[tilespmem:s19+$0xFFFFFFD0] =	vst v0  }
0xda: {  	[tilespmem:s19+$0xFFFFFFC0] =	vst v0  }
0xdb: {  	[tilespmem:s19+$0xFFFFFFB0] =	vst v0  }
0xdc: {  	s20 =	simm.s32 $0x0;
	[tilespmem:s19+$0xFFFFFFA0] =	vst v0  }
.LBB2_7:
0xdd: {  	s20 =	sadd.s32 $0x10, s20;
	[tilespmem:s19+$0xFFFFFF90] =	vst v0;
	s19 =	sadd.s32 $0x100, s19  }
0xde: {  	[tilespmem:s19+$0xFFFFFF80] =	vst v0;
	p0 =	slt.u32 s20, $0x270  }
0xdf: {  	[tilespmem:s19+$0x70] =	vst v0  }
0xe0: {  	[tilespmem:s19+$0x60] =	vst v0  }
0xe1: {  	[tilespmem:s19+$0x50] =	vst v0  }
0xe2: {  	[tilespmem:s19+$0x40] =	vst v0  }
0xe3: {  	[tilespmem:s19+$0x30] =	vst v0  }
0xe4: {  	[tilespmem:s19+$0x20] =	vst v0  }
0xe5: {  	[tilespmem:s19+$0x10] =	vst v0  }
0xe6: {  	[tilespmem:s19+$0x0] =	vst v0  }
0xe7: {  	[tilespmem:s19+$0xFFFFFFF0] =	vst v0  }
.Ltmp3:
0xe8: {  	[tilespmem:s19+$0xFFFFFFE0] =	vst v0;
	(pc) =	sbr.rel @p0 .LBB2_7-.Ltmp3, $4  }
0xe9: {  	[tilespmem:s19+$0xFFFFFFD0] =	vst v0  }
0xea: {  	[tilespmem:s19+$0xFFFFFFC0] =	vst v0  }
0xeb: {  	[tilespmem:s19+$0xFFFFFFB0] =	vst v0  }
0xec: {  	[tilespmem:s19+$0xFFFFFFA0] =	vst v0  }
0xed: {  	[tilespmem:s19+$0xFFFFFF90] =	vst v0;
	s29 =	simm.s32 $0x0  }
0xee: {  	_ =	swait.ge [sflag:s4], $0x2800;
	s20 =	sand.u32 $0x70, s29;
	s19 =	sand.u32 $0x1C00, s29  }
0xef: {  	[sflag:s4] =	ssyncset.done $0x0;
	s19 =	sor.u32 s20, s19  }
0xf0: {  	[sflag:s4] =	ssyncadd.s32 $0xFFFFD800;
	s20 =	sadd.s32 $0x13B80, s19  }
0xf1: {  	v1 =	vld [tilespmem:s20+$0x80]  }
0xf2: {  	v2 =	vld [tilespmem:s19+$0x13B80];
	_ =	sdelay $0x1  }
0xf3: {  	v3 =	vld [tilespmem:s20+$0x100];
	_ =	sdelay $0x1  }
0xf4: {  	v4 =	vld [tilespmem:s20+$0x180]  }
0xf5: {  	v1 =	vadd.f32 v1, v2  }
0xf6: {  	v2 =	vld [tilespmem:s20+$0x200]  }
0xf7: {  	v1 =	vadd.f32 v3, v1  }
0xf8: {  	v3 =	vld [tilespmem:s20+$0x280]  }
0xf9: {  	v1 =	vadd.f32 v4, v1  }
0xfa: {  	v60 =	vld [tilespmem:s20+$0x300]  }
0xfb: {  	v1 =	vadd.f32 v2, v1  }
0xfc: {  	v2 =	vld [tilespmem:s20+$0x380]  }
0xfd: {  	v1 =	vadd.f32 v3, v1  }
0xfe: {  	v3 =	vld [tilespmem:s19+$0x14F80]  }
0xff: {  	v1 =	vadd.f32 v60, v1  }
0x100: {  	v61 =	vld [tilespmem:s19+$0x15000]  }
0x101: {  	v1 =	vadd.f32 v2, v1  }
0x102: {  	v2 =	vld [tilespmem:s19+$0x15080]  }
0x103: {  	v1 =	vadd.f32 v3, v1  }
0x104: {  	v3 =	vld [tilespmem:s19+$0x15100]  }
0x105: {  	v1 =	vadd.f32 v61, v1  }
0x106: {  	v62 =	vld [tilespmem:s19+$0x15180]  }
0x107: {  	v1 =	vadd.f32 v2, v1  }
0x108: {  	v2 =	vld [tilespmem:s19+$0x15200]  }
0x109: {  	v1 =	vadd.f32 v3, v1  }
0x10a: {  	v3 =	vld [tilespmem:s19+$0x15280]  }
0x10b: {  	v1 =	vadd.f32 v62, v1  }
0x10c: {  	v63 =	vld [tilespmem:s19+$0x15300]  }
0x10d: {  	v1 =	vadd.f32 v2, v1;
	_ =	sdelay $0x1  }
0x10e: {  	v1 =	vadd.f32 v3, v1;
	_ =	sdelay $0x1  }
0x10f: {  	v1 =	vadd.f32 v63, v1;
	_ =	sdelay $0x1  }
0x110: {  	v1 =	vmul.f32 $8.999999760e-01, v1  }
0x111: {  	s30 =	simm.s32 $0x10;
	s21 =	simm.s32 $0x80  }
0x112: {  	s31 =	sand.u32 $0x70, s30;
	s22 =	sand.u32 $0x1C00, s21;
	v1 =	vadd.f32 $1.000000010e-01, v1  }
0x113: {  	s20 =	sor.u32 s31, s22;
	s22 =	simm.s32 $0x20;
	s19 =	simm.s32 $0x16380  }
.LBB2_9:
0x114: {  	p0 =	sne.s32 s22, $0x270;
	s23 =	sadd.s32 $0x13B80, s20;
	[tilespmem:s19+$0x0] =	vst v1  }
0x115: {  	v1 =	vld [tilespmem:s23+$0x80]  }
0x116: {  	v2 =	vld [tilespmem:s20+$0x13B80];
	_ =	sdelay $0x1  }
0x117: {  	v3 =	vld [tilespmem:s23+$0x100];
	_ =	sdelay $0x1  }
0x118: {  	v4 =	vld [tilespmem:s23+$0x180]  }
0x119: {  	v1 =	vadd.f32 v1, v2  }
0x11a: {  	v2 =	vld [tilespmem:s23+$0x200]  }
0x11b: {  	v1 =	vadd.f32 v3, v1  }
0x11c: {  	v3 =	vld [tilespmem:s23+$0x280]  }
0x11d: {  	v1 =	vadd.f32 v4, v1  }
0x11e: {  	v4 =	vld [tilespmem:s23+$0x300]  }
0x11f: {  	v1 =	vadd.f32 v2, v1  }
0x120: {  	v2 =	vld [tilespmem:s23+$0x380]  }
0x121: {  	v1 =	vadd.f32 v3, v1  }
0x122: {  	v3 =	vld [tilespmem:s20+$0x14F80]  }
0x123: {  	v1 =	vadd.f32 v4, v1  }
0x124: {  	v4 =	vld [tilespmem:s20+$0x15000]  }
0x125: {  	v1 =	vadd.f32 v2, v1  }
0x126: {  	v2 =	vld [tilespmem:s20+$0x15080]  }
0x127: {  	v1 =	vadd.f32 v3, v1  }
0x128: {  	v3 =	vld [tilespmem:s20+$0x15100]  }
0x129: {  	v1 =	vadd.f32 v4, v1  }
0x12a: {  	v4 =	vld [tilespmem:s20+$0x15180]  }
0x12b: {  	v1 =	vadd.f32 v2, v1  }
0x12c: {  	v2 =	vld [tilespmem:s20+$0x15200]  }
0x12d: {  	v1 =	vadd.f32 v3, v1  }
0x12e: {  	v3 =	vld [tilespmem:s20+$0x15280]  }
0x12f: {  	v1 =	vadd.f32 v4, v1  }
0x130: {  	v4 =	vld [tilespmem:s20+$0x15300]  }
0x131: {  	v1 =	vadd.f32 v2, v1;
	_ =	sdelay $0x1  }
0x132: {  	v1 =	vadd.f32 v3, v1;
	_ =	sdelay $0x1  }
0x133: {  	v1 =	vadd.f32 v4, v1  }
.Ltmp4:
0x134: {  	(pc) =	sbr.rel @p0 .LBB2_9-.Ltmp4, $4  }
0x135: {  	v1 =	vmul.f32 $8.999999760e-01, v1  }
0x136: {  	s21 =	sadd.s32 $0x80, s21  }
0x137: {  	s23 =	sand.u32 $0x1C00, s21;
	s20 =	sand.u32 $0x70, s22;
	v1 =	vadd.f32 $1.000000010e-01, v1  }
0x138: {  	s19 =	sadd.s32 $0x10, s19;
	s22 =	sadd.s32 $0x10, s22;
	s20 =	sor.u32 s20, s23  }
0x139: {  	s21 =	sadd.s32 $0x13B80, s20;
	[tilespmem:s19+$0x0] =	vst v1  }
0x13a: {  	v1 =	vld [tilespmem:s21+$0x80]  }
0x13b: {  	v2 =	vld [tilespmem:s20+$0x13B80];
	_ =	sdelay $0x1  }
0x13c: {  	v3 =	vld [tilespmem:s21+$0x100];
	_ =	sdelay $0x1  }
0x13d: {  	v4 =	vld [tilespmem:s21+$0x180]  }
0x13e: {  	v1 =	vadd.f32 v1, v2  }
0x13f: {  	v2 =	vld [tilespmem:s21+$0x200]  }
0x140: {  	v1 =	vadd.f32 v3, v1  }
0x141: {  	v3 =	vld [tilespmem:s21+$0x280]  }
0x142: {  	v1 =	vadd.f32 v4, v1  }
0x143: {  	v60 =	vld [tilespmem:s21+$0x300]  }
0x144: {  	v1 =	vadd.f32 v2, v1  }
0x145: {  	v2 =	vld [tilespmem:s21+$0x380]  }
0x146: {  	v1 =	vadd.f32 v3, v1  }
0x147: {  	v3 =	vld [tilespmem:s20+$0x14F80]  }
0x148: {  	v1 =	vadd.f32 v60, v1  }
0x149: {  	v61 =	vld [tilespmem:s20+$0x15000]  }
0x14a: {  	v1 =	vadd.f32 v2, v1  }
0x14b: {  	v2 =	vld [tilespmem:s20+$0x15080]  }
0x14c: {  	v1 =	vadd.f32 v3, v1  }
0x14d: {  	v3 =	vld [tilespmem:s20+$0x15100]  }
0x14e: {  	v1 =	vadd.f32 v61, v1  }
0x14f: {  	v62 =	vld [tilespmem:s20+$0x15180]  }
0x150: {  	v1 =	vadd.f32 v2, v1  }
0x151: {  	v2 =	vld [tilespmem:s20+$0x15200]  }
0x152: {  	v1 =	vadd.f32 v3, v1  }
0x153: {  	v3 =	vld [tilespmem:s20+$0x15280]  }
0x154: {  	v1 =	vadd.f32 v62, v1  }
0x155: {  	v63 =	vld [tilespmem:s20+$0x15300]  }
0x156: {  	v1 =	vadd.f32 v2, v1;
	_ =	sdelay $0x1  }
0x157: {  	v1 =	vadd.f32 v3, v1;
	_ =	sdelay $0x1  }
0x158: {  	v1 =	vadd.f32 v63, v1;
	_ =	sdelay $0x1  }
0x159: {  	v1 =	vmul.f32 $8.999999760e-01, v1;
	_ =	sdelay $0x1  }
0x15a: {  	v1 =	vadd.f32 $1.000000010e-01, v1  }
0x15b: {  	s31 =	sadd.s32 $0x10, s19  }
0x15c: {  	[tilespmem:s31+$0x0] =	vst v1  }
0x15d: {  	[spmem:s8] =	stream.linear.scatter [tilespmem:s18], [sflag:$0x2], $0x280, $0x38;
	[tilespmem:$0x19080] =	vst v63  }
0x15e: {  	_ =	swait.ge [sflag:s14], $0x280  }
0x15f: {  	s9 =	sadd.s32 $0x1, s9;
	[sflag:s14] =	ssyncset.done $0x0  }
0x160: {  	p0 =	sne.s32 s9, $0xA;
	[sflag:s14] =	ssyncadd.s32 $0xFFFFFD80  }
.Ltmp5:
0x161: {  	[bflag:$0x0] =	sbarrier.arrive $0xFFFF;
	(pc) =	sbr.rel @p0 .LBB2_3-.Ltmp5, $4  }
0x162: {  	[tilespmem:s10], [sflag:$0x2] =	stream.linear.gather [spmem:s2], $0x2800, $0x38;
	[tilespmem:$0x19080] =	vst v63  }
0x163: {  	_ =	swait.ge [sflag:s14], $0x2800  }
0x164: {  	[sflag:s14] =	ssyncset.done $0x0  }
0x165: {  	[sflag:s14] =	ssyncadd.s32 $0xFFFFD800  }
0x166: {  	s2 =	sshrl.u32 s5, $0x3;
	s30 =	simm.s32 $0x0  }
0x167: {  	s4 =	simm.s32 $0x16380;
	s31 =	simm.s32 $0x2;
	s2 =	sadd.s32 s3, s2  }
0x168: {  	[hbm4b:s2+s30] =	stream.linear.scatter [tilespmem:s4], [sflag:$0x2], $0x280, $0x38;
	[tilespmem:$0x19080] =	vst v63  }
0x169: {  	_ =	swait.ge [sflag:s31], $0x280  }
0x16a: {  	[sflag:s31] =	ssyncset.done $0x0  }
0x16b: {  	[sflag:s31] =	ssyncadd.s32 $0xFFFFFD80  }
0x16c: {  	_ =	sfence.sel $0x180000  }
0x16d: {  	[bflag:$0x0] =	sbarrier.arrive $0xFFFF  }
0x16e: {  	p0 =	sne.s32 s0, $0x0;
	_ =	strace $0x90000047  }
0x16f: {  	s0 =	sadd.s32 @!p0 $0x100000, s1;
	[bflag:$0x2] =	sbarrier.arrive $0xFFFF  }
0x170: {  	[sflag:s0] =	ssyncadd.tile.s32 @!p0 $0x1;
	_ =	shalt  }
.Lfunc_end2:
_tile_overlayer_lowered:
.L_overlay_start_2:
0x171: {  	(tag) =	ssettag $0x2  }
0x172: {  	s0 =	rddreg [dreg:$0x0];
	s2 =	stileid.u32  }
0x173: {  	s1 =	rddreg [dreg:$0x1];
	p0 =	sne.s32 s2, $0x0  }
0x174: {  	s3 =	rddreg [dreg:$0x2];
	[bflag:$0x3] =	sbarrier.arrive $0xFFFF;
	s2 =	simm.s32 @!p0 $0x1C02  }
0x175: {  	[timem:s3], [sflag:s2] =	dma.local @!p0 [hbm:s0], s1  }
0x176: {  	s0 =	simm.s32 @!p0 $0x2  }
0x177: {  	_ =	swait.ge @!p0 [sflag:s0], s1  }
0x178: {  	s1 =	ssub.s32 @!p0 $0x0, s1;
	[sflag:s0] =	ssyncset.done @!p0 $0x0  }
0x179: {  	[sflag:s0] =	ssyncadd.s32 @!p0 s1  }
0x17a: {  	[bflag:$0x3] =	sbarrier.arrive $0xFFFF  }
0x17b: {  	_ =	shalt  }

</sc_bundles>
